<compile_context>
chip_gen: v7x
topology: tpu7x:2x2x1
jax: 0.10.2.dev20260603
libtpu: 0.0.44.dev20260713+nightly
codegen_flags: <defaults>
</compile_context>

<pallas_src>
import functools

import jax
import jax.numpy as jnp
from jax import lax
from jax.experimental import pallas as pl
from jax.experimental.pallas import tpu as pltpu
from jax.experimental.pallas import tpu_sc as plsc

_B, _L, _EMBED = 16, 2048, 128
_TOTAL = _B * _L
_NC, _NS = 2, 16
_NW = _NC * _NS
_PER_W = _TOTAL // _NW
_CHUNK = 128
_NCHUNK = _PER_W // _CHUNK

_NBUF = 7

_mesh = plsc.VectorSubcoreMesh(core_axis_name="c", subcore_axis_name="s")


@functools.partial(
    pl.kernel,
    mesh=_mesh,
    out_type=jax.ShapeDtypeStruct((_TOTAL, _EMBED), jnp.float32),
    scratch_types=[
        pltpu.VMEM((_PER_W,), jnp.int32),
    ]
    + [pltpu.VMEM((_CHUNK, _EMBED), jnp.float32) for _ in range(_NBUF)]
    + [pltpu.SemaphoreType.DMA for _ in range(2 * _NBUF)],
)
def _gather_all(idx_hbm, table_hbm, out_hbm, idx_v, *scratch):
    bufs = scratch[:_NBUF]
    gsems = scratch[_NBUF : 2 * _NBUF]
    wsems = scratch[2 * _NBUF :]
    wid = lax.axis_index("s") * _NC + lax.axis_index("c")
    base = wid * _PER_W
    pltpu.sync_copy(
        idx_hbm.at[wid // 2, pl.ds((wid % 2) * _PER_W, _PER_W)], idx_v
    )

    gcopies = [None] * _NBUF
    wcopies = [None] * _NBUF
    for j in range(_NBUF):
        gcopies[j] = pltpu.async_copy(
            table_hbm.at[idx_v.at[pl.ds(j * _CHUNK, _CHUNK)]], bufs[j], gsems[j]
        )
    for j in range(_NCHUNK):
        b = j % _NBUF
        gcopies[b].wait()
        wcopies[b] = pltpu.async_copy(
            bufs[b], out_hbm.at[pl.ds(base + j * _CHUNK, _CHUNK)], wsems[b]
        )
        nxt = j + _NBUF
        if nxt < _NCHUNK:
            wcopies[b].wait()
            gcopies[b] = pltpu.async_copy(
                table_hbm.at[idx_v.at[pl.ds(nxt * _CHUNK, _CHUNK)]],
                bufs[b],
                gsems[b],
            )
    for j in range(_NCHUNK - _NBUF, _NCHUNK):
        wcopies[j % _NBUF].wait()


def kernel(subword_sequences, token_embedding):
    idx = subword_sequences.astype(jnp.int32)
    out = _gather_all(idx, token_embedding)
    return out.reshape(_B, _L, _EMBED)

# --- scband reference (transcript-rebuilt; emitter-appended) ---
"""Pipeline reference for scband-embedding-layer-17454747091125 (READ-ONLY COPY).

The authoritative reference and input builder live on the scoring server;
editing this copy changes nothing except your own understanding.
"""

import jax, jax.numpy as jnp
import numpy as np

VOCAB = 100000
EMBED = 128
B, L = 16, 2048


def setup_inputs(seed: int = 0) -> dict:
    key = jax.random.key(seed)
    k1, k2 = jax.random.split(key)
    subword_sequences = jax.random.randint(k1, (B, L), 0, VOCAB)
    token_embedding = jax.random.normal(k2, (VOCAB, EMBED), dtype=jnp.float32) * 0.02
    return {"subword_sequences": subword_sequences, "token_embedding": token_embedding}


def reference(subword_sequences, token_embedding):
    # EmbeddingLayer configured with learn_subword_embeddings=True,
    # output_embedding_type=SubWord, no pretrained / fasttext / character
    # embeddings, no merge. Forward reduces to:
    #   subword_embeddings = self._token_embedding(batch_representation.subword_sequences)
    #   subword_embeddings = self._token_embedding_dropout(subword_embeddings)  # p=0.0 -> identity
    #   return subword_embeddings
    subword_embeddings = jnp.take(token_embedding, subword_sequences, axis=0)
    # dropout with p=0.0 is the identity
    result_embeddings = subword_embeddings
    return result_embeddings

if __name__ == "__main__":
    import jax
    _d = setup_inputs()
    print(jax.jit(kernel)(*tuple(_d.values())))

</pallas_src>

<mosaic_0001>
#map = affine_map<(d0, d1) -> (0, 0)>
module attributes {stable_mosaic.version = 14 : i64} {
  func.func @_gather_all(%arg0: i32, %arg1: i32, %arg2: memref<16x2048xi32, #tpu.memory_space<hbm>>, %arg3: memref<100000x128xf32, #tpu.memory_space<hbm>>, %arg4: memref<32768x128xf32, #tpu.memory_space<hbm>>, %arg5: memref<1024xi32, #tpu.memory_space<vmem>>, %arg6: memref<128x128xf32, #tpu.memory_space<vmem>>, %arg7: memref<128x128xf32, #tpu.memory_space<vmem>>, %arg8: memref<128x128xf32, #tpu.memory_space<vmem>>, %arg9: memref<128x128xf32, #tpu.memory_space<vmem>>, %arg10: memref<128x128xf32, #tpu.memory_space<vmem>>, %arg11: memref<128x128xf32, #tpu.memory_space<vmem>>, %arg12: memref<128x128xf32, #tpu.memory_space<vmem>>, %arg13: memref<!tpu.dma_semaphore, #tpu.memory_space<semaphore_mem>>, %arg14: memref<!tpu.dma_semaphore, #tpu.memory_space<semaphore_mem>>, %arg15: memref<!tpu.dma_semaphore, #tpu.memory_space<semaphore_mem>>, %arg16: memref<!tpu.dma_semaphore, #tpu.memory_space<semaphore_mem>>, %arg17: memref<!tpu.dma_semaphore, #tpu.memory_space<semaphore_mem>>, %arg18: memref<!tpu.dma_semaphore, #tpu.memory_space<semaphore_mem>>, %arg19: memref<!tpu.dma_semaphore, #tpu.memory_space<semaphore_mem>>, %arg20: memref<!tpu.dma_semaphore, #tpu.memory_space<semaphore_mem>>, %arg21: memref<!tpu.dma_semaphore, #tpu.memory_space<semaphore_mem>>, %arg22: memref<!tpu.dma_semaphore, #tpu.memory_space<semaphore_mem>>, %arg23: memref<!tpu.dma_semaphore, #tpu.memory_space<semaphore_mem>>, %arg24: memref<!tpu.dma_semaphore, #tpu.memory_space<semaphore_mem>>, %arg25: memref<!tpu.dma_semaphore, #tpu.memory_space<semaphore_mem>>, %arg26: memref<!tpu.dma_semaphore, #tpu.memory_space<semaphore_mem>>) attributes {dimension_semantics = [#tpu.dimension_semantics<core_parallel>, #tpu.dimension_semantics<subcore_parallel>], iteration_bounds = array<i64: 2, 16>, scalar_prefetch = 0 : i64, scratch_operands = 22 : i64, tpu.core_type = #tpu.core_type<sc_vector_subcore>, window_params = [{transform_indices = #map}, {transform_indices = #map}, {transform_indices = #map}]} {
    %mul3A = arith.constant 2 : i32
    %mul3A_0 = arith.muli %arg1, %mul3A : i32
    %add3A = arith.addi %mul3A_0, %arg0 : i32
    %mul3A_1 = arith.constant 1024 : i32
    %mul3A_2 = arith.muli %add3A, %mul3A_1 : i32
    %jit3A = arith.constant 2 : i32
    %div3A = arith.divsi %add3A, %jit3A : i32
    %sign3A = arith.constant 0 : i32
    %sign3A_3 = arith.cmpi sgt, %add3A, %sign3A : i32
    %sign3A_4 = arith.extui %sign3A_3 : i1 to i32
    %sign3A_5 = arith.constant 0 : i32
    %sign3A_6 = arith.cmpi slt, %add3A, %sign3A_5 : i32
    %sign3A_7 = arith.extui %sign3A_6 : i1 to i32
    %sign3A_8 = arith.subi %sign3A_4, %sign3A_7 : i32
    %sign3A_9 = arith.constant 0 : i32
    %sign3A_10 = arith.cmpi sgt, %jit3A, %sign3A_9 : i32
    %sign3A_11 = arith.extui %sign3A_10 : i1 to i32
    %sign3A_12 = arith.constant 0 : i32
    %sign3A_13 = arith.cmpi slt, %jit3A, %sign3A_12 : i32
    %sign3A_14 = arith.extui %sign3A_13 : i1 to i32
    %sign3A_15 = arith.subi %sign3A_11, %sign3A_14 : i32
    %ne3A = arith.cmpi ne, %sign3A_8, %sign3A_15 : i32
    %rem3A = arith.remsi %add3A, %jit3A : i32
    %ne3A_16 = arith.constant 0 : i32
    %ne3A_17 = arith.cmpi ne, %rem3A, %ne3A_16 : i32
    %and3A = arith.andi %ne3A, %ne3A_17 : i1
    %sub3A = arith.constant 1 : i32
    %sub3A_18 = arith.subi %div3A, %sub3A : i32
    %select_n3A = arith.select %and3A, %sub3A_18, %div3A : i32
    %jit3A_19 = arith.constant 2 : i32
    %eq3A = arith.constant 0 : i32
    %eq3A_20 = arith.cmpi eq, %jit3A_19, %eq3A : i32
    %jit3A_21 = arith.constant 1 : i32
    %select_n3A_22 = arith.select %eq3A_20, %jit3A_21, %jit3A_19 : i32
    %rem3A_23 = arith.remsi %add3A, %select_n3A_22 : i32
    %ne3A_24 = arith.constant 0 : i32
    %ne3A_25 = arith.cmpi ne, %rem3A_23, %ne3A_24 : i32
    %lt3A = arith.constant 0 : i32
    %lt3A_26 = arith.cmpi slt, %rem3A_23, %lt3A : i32
    %lt3A_27 = arith.constant 0 : i32
    %lt3A_28 = arith.cmpi slt, %select_n3A_22, %lt3A_27 : i32
    %ne3A_29 = arith.xori %lt3A_26, %lt3A_28 : i1
    %and3A_30 = arith.andi %ne3A_29, %ne3A_25 : i1
    %add3A_31 = arith.addi %rem3A_23, %select_n3A_22 : i32
    %select_n3A_32 = arith.select %and3A_30, %add3A_31, %rem3A_23 : i32
    %mul3A_33 = arith.constant 1024 : i32
    %mul3A_34 = arith.muli %select_n3A_32, %mul3A_33 : i32
    "tpu.region"() ({
      %run_scoped3A = tpu.sem_alloc : memref<!tpu.dma_semaphore, #tpu.memory_space<semaphore_mem>>
      %dma_start3A_193 = tpu.memref_slice %arg2[%select_n3A, %mul3A_34] : memref<16x2048xi32, #tpu.memory_space<hbm>> -> memref<1x1024xi32, #tpu.memory_space<hbm>>
      %dma_start3A_194 = tpu.memref_squeeze %dma_start3A_193 : memref<1x1024xi32, #tpu.memory_space<hbm>> -> memref<1024xi32, #tpu.memory_space<hbm>>
      %dma_start3A_195 = tpu.memref_slice %arg2[%select_n3A, %mul3A_34] : memref<16x2048xi32, #tpu.memory_space<hbm>> -> memref<1x1024xi32, #tpu.memory_space<hbm>>
      %dma_start3A_196 = tpu.memref_squeeze %dma_start3A_195 : memref<1x1024xi32, #tpu.memory_space<hbm>> -> memref<1024xi32, #tpu.memory_space<hbm>>
      tpu.enqueue_dma source(%dma_start3A_196 : memref<1024xi32, #tpu.memory_space<hbm>>) target(%arg5 : memref<1024xi32, #tpu.memory_space<vmem>>) target_semaphore(%run_scoped3A : memref<!tpu.dma_semaphore, #tpu.memory_space<semaphore_mem>>)
      %dma_wait3A_197 = tpu.memref_slice %arg2[%select_n3A, %mul3A_34] : memref<16x2048xi32, #tpu.memory_space<hbm>> -> memref<1x1024xi32, #tpu.memory_space<hbm>>
      %dma_wait3A_198 = tpu.memref_squeeze %dma_wait3A_197 : memref<1x1024xi32, #tpu.memory_space<hbm>> -> memref<1024xi32, #tpu.memory_space<hbm>>
      %dma_wait3A_199 = tpu.memref_slice %arg2[%select_n3A, %mul3A_34] : memref<16x2048xi32, #tpu.memory_space<hbm>> -> memref<1x1024xi32, #tpu.memory_space<hbm>>
      %dma_wait3A_200 = tpu.memref_squeeze %dma_wait3A_199 : memref<1x1024xi32, #tpu.memory_space<hbm>> -> memref<1024xi32, #tpu.memory_space<hbm>>
      tpu.wait_dma2 semaphore(%run_scoped3A : memref<!tpu.dma_semaphore, #tpu.memory_space<semaphore_mem>>) src(%dma_wait3A_200 : memref<1024xi32, #tpu.memory_space<hbm>>) dst(%arg5 : memref<1024xi32, #tpu.memory_space<vmem>>)
      tpu.yield
    }) : () -> ()
    %dma_start3A = arith.constant 0 : i32
    %dma_start3A_35 = tpu.memref_slice %arg5[%dma_start3A] : memref<1024xi32, #tpu.memory_space<vmem>> -> memref<128xi32, #tpu.memory_space<vmem>>
    %dma_start3A_36 = arith.constant 0 : i32
    %dma_start3A_37 = arith.constant 0 : i32
    %dma_start3A_38 = tpu.memref_slice %arg3[%dma_start3A_36, %dma_start3A_37] : memref<100000x128xf32, #tpu.memory_space<hbm>> -> memref<100000x128xf32, #tpu.memory_space<hbm>>
    tpu.enqueue_indirect_dma source(%dma_start3A_38 : memref<100000x128xf32, #tpu.memory_space<hbm>>) target(%arg6 : memref<128x128xf32, #tpu.memory_space<vmem>>) offsets(%dma_start3A_35 : memref<128xi32, #tpu.memory_space<vmem>>) semaphore(%arg13 : memref<!tpu.dma_semaphore, #tpu.memory_space<semaphore_mem>>)
    %dma_start3A_39 = arith.constant 128 : i32
    %dma_start3A_40 = tpu.memref_slice %arg5[%dma_start3A_39] : memref<1024xi32, #tpu.memory_space<vmem>> -> memref<128xi32, #tpu.memory_space<vmem>>
    %dma_start3A_41 = arith.constant 0 : i32
    %dma_start3A_42 = arith.constant 0 : i32
    %dma_start3A_43 = tpu.memref_slice %arg3[%dma_start3A_41, %dma_start3A_42] : memref<100000x128xf32, #tpu.memory_space<hbm>> -> memref<100000x128xf32, #tpu.memory_space<hbm>>
    tpu.enqueue_indirect_dma source(%dma_start3A_43 : memref<100000x128xf32, #tpu.memory_space<hbm>>) target(%arg7 : memref<128x128xf32, #tpu.memory_space<vmem>>) offsets(%dma_start3A_40 : memref<128xi32, #tpu.memory_space<vmem>>) semaphore(%arg14 : memref<!tpu.dma_semaphore, #tpu.memory_space<semaphore_mem>>)
    %dma_start3A_44 = arith.constant 256 : i32
    %dma_start3A_45 = tpu.memref_slice %arg5[%dma_start3A_44] : memref<1024xi32, #tpu.memory_space<vmem>> -> memref<128xi32, #tpu.memory_space<vmem>>
    %dma_start3A_46 = arith.constant 0 : i32
    %dma_start3A_47 = arith.constant 0 : i32
    %dma_start3A_48 = tpu.memref_slice %arg3[%dma_start3A_46, %dma_start3A_47] : memref<100000x128xf32, #tpu.memory_space<hbm>> -> memref<100000x128xf32, #tpu.memory_space<hbm>>
    tpu.enqueue_indirect_dma source(%dma_start3A_48 : memref<100000x128xf32, #tpu.memory_space<hbm>>) target(%arg8 : memref<128x128xf32, #tpu.memory_space<vmem>>) offsets(%dma_start3A_45 : memref<128xi32, #tpu.memory_space<vmem>>) semaphore(%arg15 : memref<!tpu.dma_semaphore, #tpu.memory_space<semaphore_mem>>)
    %dma_start3A_49 = arith.constant 384 : i32
    %dma_start3A_50 = tpu.memref_slice %arg5[%dma_start3A_49] : memref<1024xi32, #tpu.memory_space<vmem>> -> memref<128xi32, #tpu.memory_space<vmem>>
    %dma_start3A_51 = arith.constant 0 : i32
    %dma_start3A_52 = arith.constant 0 : i32
    %dma_start3A_53 = tpu.memref_slice %arg3[%dma_start3A_51, %dma_start3A_52] : memref<100000x128xf32, #tpu.memory_space<hbm>> -> memref<100000x128xf32, #tpu.memory_space<hbm>>
    tpu.enqueue_indirect_dma source(%dma_start3A_53 : memref<100000x128xf32, #tpu.memory_space<hbm>>) target(%arg9 : memref<128x128xf32, #tpu.memory_space<vmem>>) offsets(%dma_start3A_50 : memref<128xi32, #tpu.memory_space<vmem>>) semaphore(%arg16 : memref<!tpu.dma_semaphore, #tpu.memory_space<semaphore_mem>>)
    %dma_start3A_54 = arith.constant 512 : i32
    %dma_start3A_55 = tpu.memref_slice %arg5[%dma_start3A_54] : memref<1024xi32, #tpu.memory_space<vmem>> -> memref<128xi32, #tpu.memory_space<vmem>>
    %dma_start3A_56 = arith.constant 0 : i32
    %dma_start3A_57 = arith.constant 0 : i32
    %dma_start3A_58 = tpu.memref_slice %arg3[%dma_start3A_56, %dma_start3A_57] : memref<100000x128xf32, #tpu.memory_space<hbm>> -> memref<100000x128xf32, #tpu.memory_space<hbm>>
    tpu.enqueue_indirect_dma source(%dma_start3A_58 : memref<100000x128xf32, #tpu.memory_space<hbm>>) target(%arg10 : memref<128x128xf32, #tpu.memory_space<vmem>>) offsets(%dma_start3A_55 : memref<128xi32, #tpu.memory_space<vmem>>) semaphore(%arg17 : memref<!tpu.dma_semaphore, #tpu.memory_space<semaphore_mem>>)
    %dma_start3A_59 = arith.constant 640 : i32
    %dma_start3A_60 = tpu.memref_slice %arg5[%dma_start3A_59] : memref<1024xi32, #tpu.memory_space<vmem>> -> memref<128xi32, #tpu.memory_space<vmem>>
    %dma_start3A_61 = arith.constant 0 : i32
    %dma_start3A_62 = arith.constant 0 : i32
    %dma_start3A_63 = tpu.memref_slice %arg3[%dma_start3A_61, %dma_start3A_62] : memref<100000x128xf32, #tpu.memory_space<hbm>> -> memref<100000x128xf32, #tpu.memory_space<hbm>>
    tpu.enqueue_indirect_dma source(%dma_start3A_63 : memref<100000x128xf32, #tpu.memory_space<hbm>>) target(%arg11 : memref<128x128xf32, #tpu.memory_space<vmem>>) offsets(%dma_start3A_60 : memref<128xi32, #tpu.memory_space<vmem>>) semaphore(%arg18 : memref<!tpu.dma_semaphore, #tpu.memory_space<semaphore_mem>>)
    %dma_start3A_64 = arith.constant 768 : i32
    %dma_start3A_65 = tpu.memref_slice %arg5[%dma_start3A_64] : memref<1024xi32, #tpu.memory_space<vmem>> -> memref<128xi32, #tpu.memory_space<vmem>>
    %dma_start3A_66 = arith.constant 0 : i32
    %dma_start3A_67 = arith.constant 0 : i32
    %dma_start3A_68 = tpu.memref_slice %arg3[%dma_start3A_66, %dma_start3A_67] : memref<100000x128xf32, #tpu.memory_space<hbm>> -> memref<100000x128xf32, #tpu.memory_space<hbm>>
    tpu.enqueue_indirect_dma source(%dma_start3A_68 : memref<100000x128xf32, #tpu.memory_space<hbm>>) target(%arg12 : memref<128x128xf32, #tpu.memory_space<vmem>>) offsets(%dma_start3A_65 : memref<128xi32, #tpu.memory_space<vmem>>) semaphore(%arg19 : memref<!tpu.dma_semaphore, #tpu.memory_space<semaphore_mem>>)
    %dma_wait3A = arith.constant 0 : i32
    %dma_wait3A_69 = tpu.memref_slice %arg5[%dma_wait3A] : memref<1024xi32, #tpu.memory_space<vmem>> -> memref<128xi32, #tpu.memory_space<vmem>>
    %dma_wait3A_70 = arith.constant 0 : i32
    %dma_wait3A_71 = arith.constant 0 : i32
    %dma_wait3A_72 = tpu.memref_slice %arg3[%dma_wait3A_70, %dma_wait3A_71] : memref<100000x128xf32, #tpu.memory_space<hbm>> -> memref<100000x128xf32, #tpu.memory_space<hbm>>
    tpu.wait_indirect_dma semaphore(%arg13 : memref<!tpu.dma_semaphore, #tpu.memory_space<semaphore_mem>>) src(%dma_wait3A_72 : memref<100000x128xf32, #tpu.memory_space<hbm>>) dst(%arg6 : memref<128x128xf32, #tpu.memory_space<vmem>>)
    %add3A_73 = arith.constant 0 : i32
    %add3A_74 = arith.addi %mul3A_2, %add3A_73 : i32
    %dma_start3A_75 = arith.constant 0 : i32
    %dma_start3A_76 = tpu.memref_slice %arg4[%add3A_74, %dma_start3A_75] : memref<32768x128xf32, #tpu.memory_space<hbm>> -> memref<128x128xf32, #tpu.memory_space<hbm>>
    %dma_start3A_77 = arith.constant 0 : i32
    %dma_start3A_78 = tpu.memref_slice %arg4[%add3A_74, %dma_start3A_77] : memref<32768x128xf32, #tpu.memory_space<hbm>> -> memref<128x128xf32, #tpu.memory_space<hbm>>
    tpu.enqueue_dma source(%arg6 : memref<128x128xf32, #tpu.memory_space<vmem>>) target(%dma_start3A_78 : memref<128x128xf32, #tpu.memory_space<hbm>>) target_semaphore(%arg20 : memref<!tpu.dma_semaphore, #tpu.memory_space<semaphore_mem>>)
    %dma_wait3A_79 = arith.constant 0 : i32
    %dma_wait3A_80 = tpu.memref_slice %arg4[%add3A_74, %dma_wait3A_79] : memref<32768x128xf32, #tpu.memory_space<hbm>> -> memref<128x128xf32, #tpu.memory_space<hbm>>
    %dma_wait3A_81 = arith.constant 0 : i32
    %dma_wait3A_82 = tpu.memref_slice %arg4[%add3A_74, %dma_wait3A_81] : memref<32768x128xf32, #tpu.memory_space<hbm>> -> memref<128x128xf32, #tpu.memory_space<hbm>>
    tpu.wait_dma2 semaphore(%arg20 : memref<!tpu.dma_semaphore, #tpu.memory_space<semaphore_mem>>) src(%arg6 : memref<128x128xf32, #tpu.memory_space<vmem>>) dst(%dma_wait3A_82 : memref<128x128xf32, #tpu.memory_space<hbm>>)
    %dma_start3A_83 = arith.constant 896 : i32
    %dma_start3A_84 = tpu.memref_slice %arg5[%dma_start3A_83] : memref<1024xi32, #tpu.memory_space<vmem>> -> memref<128xi32, #tpu.memory_space<vmem>>
    %dma_start3A_85 = arith.constant 0 : i32
    %dma_start3A_86 = arith.constant 0 : i32
    %dma_start3A_87 = tpu.memref_slice %arg3[%dma_start3A_85, %dma_start3A_86] : memref<100000x128xf32, #tpu.memory_space<hbm>> -> memref<100000x128xf32, #tpu.memory_space<hbm>>
    tpu.enqueue_indirect_dma source(%dma_start3A_87 : memref<100000x128xf32, #tpu.memory_space<hbm>>) target(%arg6 : memref<128x128xf32, #tpu.memory_space<vmem>>) offsets(%dma_start3A_84 : memref<128xi32, #tpu.memory_space<vmem>>) semaphore(%arg13 : memref<!tpu.dma_semaphore, #tpu.memory_space<semaphore_mem>>)
    %dma_wait3A_88 = arith.constant 128 : i32
    %dma_wait3A_89 = tpu.memref_slice %arg5[%dma_wait3A_88] : memref<1024xi32, #tpu.memory_space<vmem>> -> memref<128xi32, #tpu.memory_space<vmem>>
    %dma_wait3A_90 = arith.constant 0 : i32
    %dma_wait3A_91 = arith.constant 0 : i32
    %dma_wait3A_92 = tpu.memref_slice %arg3[%dma_wait3A_90, %dma_wait3A_91] : memref<100000x128xf32, #tpu.memory_space<hbm>> -> memref<100000x128xf32, #tpu.memory_space<hbm>>
    tpu.wait_indirect_dma semaphore(%arg14 : memref<!tpu.dma_semaphore, #tpu.memory_space<semaphore_mem>>) src(%dma_wait3A_92 : memref<100000x128xf32, #tpu.memory_space<hbm>>) dst(%arg7 : memref<128x128xf32, #tpu.memory_space<vmem>>)
    %add3A_93 = arith.constant 128 : i32
    %add3A_94 = arith.addi %mul3A_2, %add3A_93 : i32
    %dma_start3A_95 = arith.constant 0 : i32
    %dma_start3A_96 = tpu.memref_slice %arg4[%add3A_94, %dma_start3A_95] : memref<32768x128xf32, #tpu.memory_space<hbm>> -> memref<128x128xf32, #tpu.memory_space<hbm>>
    %dma_start3A_97 = arith.constant 0 : i32
    %dma_start3A_98 = tpu.memref_slice %arg4[%add3A_94, %dma_start3A_97] : memref<32768x128xf32, #tpu.memory_space<hbm>> -> memref<128x128xf32, #tpu.memory_space<hbm>>
    tpu.enqueue_dma source(%arg7 : memref<128x128xf32, #tpu.memory_space<vmem>>) target(%dma_start3A_98 : memref<128x128xf32, #tpu.memory_space<hbm>>) target_semaphore(%arg21 : memref<!tpu.dma_semaphore, #tpu.memory_space<semaphore_mem>>)
    %dma_wait3A_99 = arith.constant 256 : i32
    %dma_wait3A_100 = tpu.memref_slice %arg5[%dma_wait3A_99] : memref<1024xi32, #tpu.memory_space<vmem>> -> memref<128xi32, #tpu.memory_space<vmem>>
    %dma_wait3A_101 = arith.constant 0 : i32
    %dma_wait3A_102 = arith.constant 0 : i32
    %dma_wait3A_103 = tpu.memref_slice %arg3[%dma_wait3A_101, %dma_wait3A_102] : memref<100000x128xf32, #tpu.memory_space<hbm>> -> memref<100000x128xf32, #tpu.memory_space<hbm>>
    tpu.wait_indirect_dma semaphore(%arg15 : memref<!tpu.dma_semaphore, #tpu.memory_space<semaphore_mem>>) src(%dma_wait3A_103 : memref<100000x128xf32, #tpu.memory_space<hbm>>) dst(%arg8 : memref<128x128xf32, #tpu.memory_space<vmem>>)
    %add3A_104 = arith.constant 256 : i32
    %add3A_105 = arith.addi %mul3A_2, %add3A_104 : i32
    %dma_start3A_106 = arith.constant 0 : i32
    %dma_start3A_107 = tpu.memref_slice %arg4[%add3A_105, %dma_start3A_106] : memref<32768x128xf32, #tpu.memory_space<hbm>> -> memref<128x128xf32, #tpu.memory_space<hbm>>
    %dma_start3A_108 = arith.constant 0 : i32
    %dma_start3A_109 = tpu.memref_slice %arg4[%add3A_105, %dma_start3A_108] : memref<32768x128xf32, #tpu.memory_space<hbm>> -> memref<128x128xf32, #tpu.memory_space<hbm>>
    tpu.enqueue_dma source(%arg8 : memref<128x128xf32, #tpu.memory_space<vmem>>) target(%dma_start3A_109 : memref<128x128xf32, #tpu.memory_space<hbm>>) target_semaphore(%arg22 : memref<!tpu.dma_semaphore, #tpu.memory_space<semaphore_mem>>)
    %dma_wait3A_110 = arith.constant 384 : i32
    %dma_wait3A_111 = tpu.memref_slice %arg5[%dma_wait3A_110] : memref<1024xi32, #tpu.memory_space<vmem>> -> memref<128xi32, #tpu.memory_space<vmem>>
    %dma_wait3A_112 = arith.constant 0 : i32
    %dma_wait3A_113 = arith.constant 0 : i32
    %dma_wait3A_114 = tpu.memref_slice %arg3[%dma_wait3A_112, %dma_wait3A_113] : memref<100000x128xf32, #tpu.memory_space<hbm>> -> memref<100000x128xf32, #tpu.memory_space<hbm>>
    tpu.wait_indirect_dma semaphore(%arg16 : memref<!tpu.dma_semaphore, #tpu.memory_space<semaphore_mem>>) src(%dma_wait3A_114 : memref<100000x128xf32, #tpu.memory_space<hbm>>) dst(%arg9 : memref<128x128xf32, #tpu.memory_space<vmem>>)
    %add3A_115 = arith.constant 384 : i32
    %add3A_116 = arith.addi %mul3A_2, %add3A_115 : i32
    %dma_start3A_117 = arith.constant 0 : i32
    %dma_start3A_118 = tpu.memref_slice %arg4[%add3A_116, %dma_start3A_117] : memref<32768x128xf32, #tpu.memory_space<hbm>> -> memref<128x128xf32, #tpu.memory_space<hbm>>
    %dma_start3A_119 = arith.constant 0 : i32
    %dma_start3A_120 = tpu.memref_slice %arg4[%add3A_116, %dma_start3A_119] : memref<32768x128xf32, #tpu.memory_space<hbm>> -> memref<128x128xf32, #tpu.memory_space<hbm>>
    tpu.enqueue_dma source(%arg9 : memref<128x128xf32, #tpu.memory_space<vmem>>) target(%dma_start3A_120 : memref<128x128xf32, #tpu.memory_space<hbm>>) target_semaphore(%arg23 : memref<!tpu.dma_semaphore, #tpu.memory_space<semaphore_mem>>)
    %dma_wait3A_121 = arith.constant 512 : i32
    %dma_wait3A_122 = tpu.memref_slice %arg5[%dma_wait3A_121] : memref<1024xi32, #tpu.memory_space<vmem>> -> memref<128xi32, #tpu.memory_space<vmem>>
    %dma_wait3A_123 = arith.constant 0 : i32
    %dma_wait3A_124 = arith.constant 0 : i32
    %dma_wait3A_125 = tpu.memref_slice %arg3[%dma_wait3A_123, %dma_wait3A_124] : memref<100000x128xf32, #tpu.memory_space<hbm>> -> memref<100000x128xf32, #tpu.memory_space<hbm>>
    tpu.wait_indirect_dma semaphore(%arg17 : memref<!tpu.dma_semaphore, #tpu.memory_space<semaphore_mem>>) src(%dma_wait3A_125 : memref<100000x128xf32, #tpu.memory_space<hbm>>) dst(%arg10 : memref<128x128xf32, #tpu.memory_space<vmem>>)
    %add3A_126 = arith.constant 512 : i32
    %add3A_127 = arith.addi %mul3A_2, %add3A_126 : i32
    %dma_start3A_128 = arith.constant 0 : i32
    %dma_start3A_129 = tpu.memref_slice %arg4[%add3A_127, %dma_start3A_128] : memref<32768x128xf32, #tpu.memory_space<hbm>> -> memref<128x128xf32, #tpu.memory_space<hbm>>
    %dma_start3A_130 = arith.constant 0 : i32
    %dma_start3A_131 = tpu.memref_slice %arg4[%add3A_127, %dma_start3A_130] : memref<32768x128xf32, #tpu.memory_space<hbm>> -> memref<128x128xf32, #tpu.memory_space<hbm>>
    tpu.enqueue_dma source(%arg10 : memref<128x128xf32, #tpu.memory_space<vmem>>) target(%dma_start3A_131 : memref<128x128xf32, #tpu.memory_space<hbm>>) target_semaphore(%arg24 : memref<!tpu.dma_semaphore, #tpu.memory_space<semaphore_mem>>)
    %dma_wait3A_132 = arith.constant 640 : i32
    %dma_wait3A_133 = tpu.memref_slice %arg5[%dma_wait3A_132] : memref<1024xi32, #tpu.memory_space<vmem>> -> memref<128xi32, #tpu.memory_space<vmem>>
    %dma_wait3A_134 = arith.constant 0 : i32
    %dma_wait3A_135 = arith.constant 0 : i32
    %dma_wait3A_136 = tpu.memref_slice %arg3[%dma_wait3A_134, %dma_wait3A_135] : memref<100000x128xf32, #tpu.memory_space<hbm>> -> memref<100000x128xf32, #tpu.memory_space<hbm>>
    tpu.wait_indirect_dma semaphore(%arg18 : memref<!tpu.dma_semaphore, #tpu.memory_space<semaphore_mem>>) src(%dma_wait3A_136 : memref<100000x128xf32, #tpu.memory_space<hbm>>) dst(%arg11 : memref<128x128xf32, #tpu.memory_space<vmem>>)
    %add3A_137 = arith.constant 640 : i32
    %add3A_138 = arith.addi %mul3A_2, %add3A_137 : i32
    %dma_start3A_139 = arith.constant 0 : i32
    %dma_start3A_140 = tpu.memref_slice %arg4[%add3A_138, %dma_start3A_139] : memref<32768x128xf32, #tpu.memory_space<hbm>> -> memref<128x128xf32, #tpu.memory_space<hbm>>
    %dma_start3A_141 = arith.constant 0 : i32
    %dma_start3A_142 = tpu.memref_slice %arg4[%add3A_138, %dma_start3A_141] : memref<32768x128xf32, #tpu.memory_space<hbm>> -> memref<128x128xf32, #tpu.memory_space<hbm>>
    tpu.enqueue_dma source(%arg11 : memref<128x128xf32, #tpu.memory_space<vmem>>) target(%dma_start3A_142 : memref<128x128xf32, #tpu.memory_space<hbm>>) target_semaphore(%arg25 : memref<!tpu.dma_semaphore, #tpu.memory_space<semaphore_mem>>)
    %dma_wait3A_143 = arith.constant 768 : i32
    %dma_wait3A_144 = tpu.memref_slice %arg5[%dma_wait3A_143] : memref<1024xi32, #tpu.memory_space<vmem>> -> memref<128xi32, #tpu.memory_space<vmem>>
    %dma_wait3A_145 = arith.constant 0 : i32
    %dma_wait3A_146 = arith.constant 0 : i32
    %dma_wait3A_147 = tpu.memref_slice %arg3[%dma_wait3A_145, %dma_wait3A_146] : memref<100000x128xf32, #tpu.memory_space<hbm>> -> memref<100000x128xf32, #tpu.memory_space<hbm>>
    tpu.wait_indirect_dma semaphore(%arg19 : memref<!tpu.dma_semaphore, #tpu.memory_space<semaphore_mem>>) src(%dma_wait3A_147 : memref<100000x128xf32, #tpu.memory_space<hbm>>) dst(%arg12 : memref<128x128xf32, #tpu.memory_space<vmem>>)
    %add3A_148 = arith.constant 768 : i32
    %add3A_149 = arith.addi %mul3A_2, %add3A_148 : i32
    %dma_start3A_150 = arith.constant 0 : i32
    %dma_start3A_151 = tpu.memref_slice %arg4[%add3A_149, %dma_start3A_150] : memref<32768x128xf32, #tpu.memory_space<hbm>> -> memref<128x128xf32, #tpu.memory_space<hbm>>
    %dma_start3A_152 = arith.constant 0 : i32
    %dma_start3A_153 = tpu.memref_slice %arg4[%add3A_149, %dma_start3A_152] : memref<32768x128xf32, #tpu.memory_space<hbm>> -> memref<128x128xf32, #tpu.memory_space<hbm>>
    tpu.enqueue_dma source(%arg12 : memref<128x128xf32, #tpu.memory_space<vmem>>) target(%dma_start3A_153 : memref<128x128xf32, #tpu.memory_space<hbm>>) target_semaphore(%arg26 : memref<!tpu.dma_semaphore, #tpu.memory_space<semaphore_mem>>)
    %dma_wait3A_154 = arith.constant 896 : i32
    %dma_wait3A_155 = tpu.memref_slice %arg5[%dma_wait3A_154] : memref<1024xi32, #tpu.memory_space<vmem>> -> memref<128xi32, #tpu.memory_space<vmem>>
    %dma_wait3A_156 = arith.constant 0 : i32
    %dma_wait3A_157 = arith.constant 0 : i32
    %dma_wait3A_158 = tpu.memref_slice %arg3[%dma_wait3A_156, %dma_wait3A_157] : memref<100000x128xf32, #tpu.memory_space<hbm>> -> memref<100000x128xf32, #tpu.memory_space<hbm>>
    tpu.wait_indirect_dma semaphore(%arg13 : memref<!tpu.dma_semaphore, #tpu.memory_space<semaphore_mem>>) src(%dma_wait3A_158 : memref<100000x128xf32, #tpu.memory_space<hbm>>) dst(%arg6 : memref<128x128xf32, #tpu.memory_space<vmem>>)
    %add3A_159 = arith.constant 896 : i32
    %add3A_160 = arith.addi %mul3A_2, %add3A_159 : i32
    %dma_start3A_161 = arith.constant 0 : i32
    %dma_start3A_162 = tpu.memref_slice %arg4[%add3A_160, %dma_start3A_161] : memref<32768x128xf32, #tpu.memory_space<hbm>> -> memref<128x128xf32, #tpu.memory_space<hbm>>
    %dma_start3A_163 = arith.constant 0 : i32
    %dma_start3A_164 = tpu.memref_slice %arg4[%add3A_160, %dma_start3A_163] : memref<32768x128xf32, #tpu.memory_space<hbm>> -> memref<128x128xf32, #tpu.memory_space<hbm>>
    tpu.enqueue_dma source(%arg6 : memref<128x128xf32, #tpu.memory_space<vmem>>) target(%dma_start3A_164 : memref<128x128xf32, #tpu.memory_space<hbm>>) target_semaphore(%arg20 : memref<!tpu.dma_semaphore, #tpu.memory_space<semaphore_mem>>)
    %dma_wait3A_165 = arith.constant 0 : i32
    %dma_wait3A_166 = tpu.memref_slice %arg4[%add3A_94, %dma_wait3A_165] : memref<32768x128xf32, #tpu.memory_space<hbm>> -> memref<128x128xf32, #tpu.memory_space<hbm>>
    %dma_wait3A_167 = arith.constant 0 : i32
    %dma_wait3A_168 = tpu.memref_slice %arg4[%add3A_94, %dma_wait3A_167] : memref<32768x128xf32, #tpu.memory_space<hbm>> -> memref<128x128xf32, #tpu.memory_space<hbm>>
    tpu.wait_dma2 semaphore(%arg21 : memref<!tpu.dma_semaphore, #tpu.memory_space<semaphore_mem>>) src(%arg7 : memref<128x128xf32, #tpu.memory_space<vmem>>) dst(%dma_wait3A_168 : memref<128x128xf32, #tpu.memory_space<hbm>>)
    %dma_wait3A_169 = arith.constant 0 : i32
    %dma_wait3A_170 = tpu.memref_slice %arg4[%add3A_105, %dma_wait3A_169] : memref<32768x128xf32, #tpu.memory_space<hbm>> -> memref<128x128xf32, #tpu.memory_space<hbm>>
    %dma_wait3A_171 = arith.constant 0 : i32
    %dma_wait3A_172 = tpu.memref_slice %arg4[%add3A_105, %dma_wait3A_171] : memref<32768x128xf32, #tpu.memory_space<hbm>> -> memref<128x128xf32, #tpu.memory_space<hbm>>
    tpu.wait_dma2 semaphore(%arg22 : memref<!tpu.dma_semaphore, #tpu.memory_space<semaphore_mem>>) src(%arg8 : memref<128x128xf32, #tpu.memory_space<vmem>>) dst(%dma_wait3A_172 : memref<128x128xf32, #tpu.memory_space<hbm>>)
    %dma_wait3A_173 = arith.constant 0 : i32
    %dma_wait3A_174 = tpu.memref_slice %arg4[%add3A_116, %dma_wait3A_173] : memref<32768x128xf32, #tpu.memory_space<hbm>> -> memref<128x128xf32, #tpu.memory_space<hbm>>
    %dma_wait3A_175 = arith.constant 0 : i32
    %dma_wait3A_176 = tpu.memref_slice %arg4[%add3A_116, %dma_wait3A_175] : memref<32768x128xf32, #tpu.memory_space<hbm>> -> memref<128x128xf32, #tpu.memory_space<hbm>>
    tpu.wait_dma2 semaphore(%arg23 : memref<!tpu.dma_semaphore, #tpu.memory_space<semaphore_mem>>) src(%arg9 : memref<128x128xf32, #tpu.memory_space<vmem>>) dst(%dma_wait3A_176 : memref<128x128xf32, #tpu.memory_space<hbm>>)
    %dma_wait3A_177 = arith.constant 0 : i32
    %dma_wait3A_178 = tpu.memref_slice %arg4[%add3A_127, %dma_wait3A_177] : memref<32768x128xf32, #tpu.memory_space<hbm>> -> memref<128x128xf32, #tpu.memory_space<hbm>>
    %dma_wait3A_179 = arith.constant 0 : i32
    %dma_wait3A_180 = tpu.memref_slice %arg4[%add3A_127, %dma_wait3A_179] : memref<32768x128xf32, #tpu.memory_space<hbm>> -> memref<128x128xf32, #tpu.memory_space<hbm>>
    tpu.wait_dma2 semaphore(%arg24 : memref<!tpu.dma_semaphore, #tpu.memory_space<semaphore_mem>>) src(%arg10 : memref<128x128xf32, #tpu.memory_space<vmem>>) dst(%dma_wait3A_180 : memref<128x128xf32, #tpu.memory_space<hbm>>)
    %dma_wait3A_181 = arith.constant 0 : i32
    %dma_wait3A_182 = tpu.memref_slice %arg4[%add3A_138, %dma_wait3A_181] : memref<32768x128xf32, #tpu.memory_space<hbm>> -> memref<128x128xf32, #tpu.memory_space<hbm>>
    %dma_wait3A_183 = arith.constant 0 : i32
    %dma_wait3A_184 = tpu.memref_slice %arg4[%add3A_138, %dma_wait3A_183] : memref<32768x128xf32, #tpu.memory_space<hbm>> -> memref<128x128xf32, #tpu.memory_space<hbm>>
    tpu.wait_dma2 semaphore(%arg25 : memref<!tpu.dma_semaphore, #tpu.memory_space<semaphore_mem>>) src(%arg11 : memref<128x128xf32, #tpu.memory_space<vmem>>) dst(%dma_wait3A_184 : memref<128x128xf32, #tpu.memory_space<hbm>>)
    %dma_wait3A_185 = arith.constant 0 : i32
    %dma_wait3A_186 = tpu.memref_slice %arg4[%add3A_149, %dma_wait3A_185] : memref<32768x128xf32, #tpu.memory_space<hbm>> -> memref<128x128xf32, #tpu.memory_space<hbm>>
    %dma_wait3A_187 = arith.constant 0 : i32
    %dma_wait3A_188 = tpu.memref_slice %arg4[%add3A_149, %dma_wait3A_187] : memref<32768x128xf32, #tpu.memory_space<hbm>> -> memref<128x128xf32, #tpu.memory_space<hbm>>
    tpu.wait_dma2 semaphore(%arg26 : memref<!tpu.dma_semaphore, #tpu.memory_space<semaphore_mem>>) src(%arg12 : memref<128x128xf32, #tpu.memory_space<vmem>>) dst(%dma_wait3A_188 : memref<128x128xf32, #tpu.memory_space<hbm>>)
    %dma_wait3A_189 = arith.constant 0 : i32
    %dma_wait3A_190 = tpu.memref_slice %arg4[%add3A_160, %dma_wait3A_189] : memref<32768x128xf32, #tpu.memory_space<hbm>> -> memref<128x128xf32, #tpu.memory_space<hbm>>
    %dma_wait3A_191 = arith.constant 0 : i32
    %dma_wait3A_192 = tpu.memref_slice %arg4[%add3A_160, %dma_wait3A_191] : memref<32768x128xf32, #tpu.memory_space<hbm>> -> memref<128x128xf32, #tpu.memory_space<hbm>>
    tpu.wait_dma2 semaphore(%arg20 : memref<!tpu.dma_semaphore, #tpu.memory_space<semaphore_mem>>) src(%arg6 : memref<128x128xf32, #tpu.memory_space<vmem>>) dst(%dma_wait3A_192 : memref<128x128xf32, #tpu.memory_space<hbm>>)
    return
  }
}

</mosaic_0001>

<sc_bundles>
// kernel: kernel.3.cloned.1.call-start
scs
__scs_entry_jumppad:
0x0: {  	(pc) =	sbr.rel $0x88, $3  }
0x1: {  	(tag) =	ssettag $0x0;
	lr =	simm.s32 $0x1  }
0x2: {  	[smem:$0x3F9F] =	sst lr;
	_ =	strace $0xD0000000  }
0x3: {  	_ = 	snop  }
0x4: {  	_ = 	snop  }
0x5: {  	_ = 	snop  }
0x6: {  	_ = 	snop  }
0x7: {  	_ = 	snop  }
__scs_overlays_trampoline_lowered:
0x8: {  	[smem:$0x3FAE] =	sst s0  }
0x9: {  	[smem:$0x3FAF] =	sst s1  }
0xa: {  	[smem:$0x3FB0] =	sst s2  }
0xb: {  	[smem:$0x3FB1] =	sst s3  }
0xc: {  	[smem:$0x3FB2] =	sst s4  }
0xd: {  	[smem:$0x3FB3] =	sst s5  }
0xe: {  	[smem:$0x3FB4] =	sst s6  }
0xf: {  	[smem:$0x3FB5] =	sst s7  }
0x10: {  	[smem:$0x3FB6] =	sst s8  }
0x11: {  	[smem:$0x3FB7] =	sst s9;
	s0 =	simm.s32 @!p0 $0x0  }
0x12: {  	s1 =	sld [smem:$0x3F9D];
	s0 =	simm.s32 @p0 $0x1  }
0x13: {  	[smem:$0x3FB8] =	sst s0;
	s0 =	simm.s32 @!p1 $0x0  }
0x14: {  	s2 =	sld [smem:$0x3F9C];
	s0 =	simm.s32 @p1 $0x1  }
0x15: {  	[smem:$0x3FB9] =	sst s0;
	s0 =	simm.s32 @!p2 $0x0  }
0x16: {  	s3 =	sld [smem:$0x3FDB];
	s0 =	simm.s32 @p2 $0x1  }
0x17: {  	s4 =	simm.s32 $0x1BF5;
	[smem:$0x3FBB] =	sst s0  }
0x18: {  	s0 =	sld [smem:$0x3F9E];
	_ =	swait.ge [sflag:s4], $0x0  }
0x19: {  	s7 =	sld [smem:$0x3F9F]  }
0x1a: {  	s8 =	sadd.s32 $0xFFFFE003, lr  }
0x1b: {  	s9 =	sadd.s32 $0xFFFFFEF7, lr;
	s5 =	simm.s32 $0xFFFFFFFF;
	p2 =	slt.u32 s8, $0xFFFFF086  }
0x1c: {  	p1 =	slt.u32 s9, $0xF7A;
	s5 =	simm.s32 @!p2 $0x0  }
0x1d: {  	s5 =	simm.s32 @p1 $0x1;
	p0 =	seq.s32 s7, s2  }
0x1e: {  	s7 =	smul.u32 @!p0 $0xF7A, s2;
	p2 =	seq.s32 @!p0 s5, $0x0  }
0x1f: {  	s9 =	smul.u32 $0xF7A, s1;
	s8 =	simm.s32 @!p0 $0x1BF5;
	p2 =	por !p2, p0  }
0x20: {  	[sflag:s8] =	ssyncset.s32 @!p0 $0xFFFFF086;
	s6 =	sadd.s32 @!p0 s3, s7;
	s7 =	simm.s32 @!p0 $0x108  }
0x21: {  	s3 =	sadd.s32 s3, s9;
	s6 =	sadd.s32 @!p0 $0x88, s6;
	s7 =	simm.s32 @p2 $0x1082  }
0x22: {  	[simem:s7], [sflag:s8] =	dma.local @!p0 [hbm:s6], $0xF7A  }
0x23: {  	s9 =	sor.u32 $0xD0000000, s2;
	s6 =	simm.s32 $0x108;
	_ =	swait.ge @!p0 [sflag:s8], $0x0  }
0x24: {  	s3 =	sadd.s32 $0x88, s3;
	s6 =	simm.s32 @!p1 $0x1082;
	[sflag:s4] =	ssyncset.s32 $0xFFFFF086  }
0x25: {  	[simem:s6], [sflag:s4] =	dma.local [hbm:s3], $0xF7A  }
0x26: {  	[smem:$0x3F9F] =	sst s1;
	(tag) =	ssettag s2;
	_ =	strace s9  }
0x27: {  	s1 =	sld [smem:$0x3FAF]  }
0x28: {  	s2 =	sld [smem:$0x3FB0]  }
0x29: {  	s4 =	sld [smem:$0x3FB2]  }
0x2a: {  	p0 =	seq.s32 s5, $0x0;
	s5 =	sld [smem:$0x3FB3]  }
0x2b: {  	s6 =	sld [smem:$0x3FB4]  }
0x2c: {  	s7 =	sld [smem:$0x3FB5]  }
0x2d: {  	s3 =	simm.s32 $0x108;
	s8 =	sld [smem:$0x3FB6]  }
0x2e: {  	s3 =	simm.s32 @!p0 $0x1082;
	s9 =	sld [smem:$0x3FB7]  }
0x2f: {  	lr =	sadd.s32 s0, s3;
	s0 =	sld [smem:$0x3FAE]  }
0x30: {  	s3 =	sld [smem:$0x3FB1]  }
0x31: {  	[smem:$0x3FBA] =	sst s10  }
0x32: {  	s10 =	sld [smem:$0x3FB8];
	_ =	sdelay $0x3  }
0x33: {  	p0 =	seq.s32 s10, $0x1;
	s10 =	sld [smem:$0x3FBA];
	_ =	sdelay $0x3  }
0x34: {  	[smem:$0x3FBA] =	sst s10  }
0x35: {  	s10 =	sld [smem:$0x3FB9];
	_ =	sdelay $0x3  }
0x36: {  	p1 =	seq.s32 s10, $0x1;
	s10 =	sld [smem:$0x3FBA];
	_ =	sdelay $0x3  }
0x37: {  	[smem:$0x3FBA] =	sst s10  }
0x38: {  	s10 =	sld [smem:$0x3FBB]  }
0x39: {  	_ = 	snop;
	(pc) =	sbr.ind lr, $3  }
0x3a: {  	_ = 	snop  }
0x3b: {  	_ = 	snop  }
0x3c: {  	p2 =	seq.s32 s10, $0x1;
	s10 =	sld [smem:$0x3FBA]  }
0x3d: {  	_ =	shalt  }
0x3e: {  	_ =	shalt  }
0x3f: {  	_ =	shalt  }
0x40: {  	_ =	shalt  }
0x41: {  	_ =	shalt  }
0x42: {  	_ =	shalt  }
0x43: {  	_ =	shalt  }
0x44: {  	_ =	shalt  }
0x45: {  	_ =	shalt  }
0x46: {  	_ =	shalt  }
0x47: {  	_ =	shalt  }
0x48: {  	_ =	shalt  }
0x49: {  	_ =	shalt  }
0x4a: {  	_ =	shalt  }
0x4b: {  	_ =	shalt  }
0x4c: {  	_ =	shalt  }
0x4d: {  	_ =	shalt  }
0x4e: {  	_ =	shalt  }
0x4f: {  	_ =	shalt  }
0x50: {  	_ =	shalt  }
0x51: {  	_ =	shalt  }
0x52: {  	_ =	shalt  }
0x53: {  	_ =	shalt  }
0x54: {  	_ =	shalt  }
0x55: {  	_ =	shalt  }
0x56: {  	_ =	shalt  }
0x57: {  	_ =	shalt  }
0x58: {  	_ =	shalt  }
0x59: {  	_ =	shalt  }
0x5a: {  	_ =	shalt  }
0x5b: {  	_ =	shalt  }
0x5c: {  	_ =	shalt  }
0x5d: {  	_ =	shalt  }
0x5e: {  	_ =	shalt  }
0x5f: {  	_ =	shalt  }
0x60: {  	_ =	shalt  }
0x61: {  	_ =	shalt  }
0x62: {  	_ =	shalt  }
0x63: {  	_ =	shalt  }
0x64: {  	_ =	shalt  }
0x65: {  	_ =	shalt  }
0x66: {  	_ =	shalt  }
0x67: {  	_ =	shalt  }
0x68: {  	_ =	shalt  }
0x69: {  	_ =	shalt  }
0x6a: {  	_ =	shalt  }
0x6b: {  	_ =	shalt  }
0x6c: {  	_ =	shalt  }
0x6d: {  	_ =	shalt  }
0x6e: {  	_ =	shalt  }
0x6f: {  	_ =	shalt  }
0x70: {  	_ =	shalt  }
0x71: {  	_ =	shalt  }
0x72: {  	_ =	shalt  }
0x73: {  	_ =	shalt  }
0x74: {  	_ =	shalt  }
0x75: {  	_ =	shalt  }
0x76: {  	_ =	shalt  }
0x77: {  	_ =	shalt  }
0x78: {  	_ =	shalt  }
0x79: {  	_ =	shalt  }
0x7a: {  	_ =	shalt  }
0x7b: {  	_ =	shalt  }
0x7c: {  	_ =	shalt  }
0x7d: {  	_ =	shalt  }
0x7e: {  	_ =	shalt  }
0x7f: {  	_ =	shalt  }
0x80: {  	_ =	shalt  }
0x81: {  	_ =	shalt  }
0x82: {  	_ =	shalt  }
0x83: {  	_ =	shalt  }
0x84: {  	_ =	shalt  }
0x85: {  	_ =	shalt  }
0x86: {  	_ =	shalt  }
0x87: {  	_ =	shalt  }
.Lfunc_end0:
.L_simem_size_0:
called_computation_lowered:
.L_overlay_start_0:
0x88: {  	s2 =	sld [smem:$0x3FD9]  }
0x89: {  	s3 =	sld [smem:$0x3FFE];
	_ =	sdelay $0x1  }
0x8a: {  	s1 =	srdreg.scid  }
0x8b: {  	s0 =	sand.u32 $0x1, s1  }
0x8c: {  	s18 =	sshll.u32 s0, $0xA;
	s2 =	sadd.s32 s3, s2  }
0x8d: {  	s2 =	sadd.s32 s2, s18  }
0x8e: {  	[smem:$0x3FC6] =	sst s2  }
0x8f: {  	_ = 	snop  }
0x90: {  	s2 =	sld [smem:$0x3FC9]  }
0x91: {  	s19 =	sld [smem:$0x3FC8]  }
0x92: {  	s4 =	sld [smem:$0x3FD0];
	(tm) =	ssettm $0x1  }
0x93: {  	s5 =	sld [smem:$0x3FFB];
	_ =	sdelay $0x3  }
0x94: {  	_ =	strace s5  }
0x95: {  	s5 =	sld [smem:$0x3FFC];
	_ =	sdelay $0x3  }
0x96: {  	_ =	strace s5  }
0x97: {  	s5 =	sld [smem:$0x3FFD];
	_ =	sdelay $0x3  }
0x98: {  	_ =	strace s5  }
0x99: {  	_ =	strace $0x8FFFFFFF  }
0x9a: {  	s20 =	sld [smem:$0x3FDB];
	_ =	sdelay $0x1  }
0x9b: {  	s6 =	simm.s32 $_scs_section_size  }
0x9c: {  	s7 =	simm.s32 $_size__tile_overlayer_lowered;
	s8 =	simm.s32 $_tile_overlayer_lowered  }
0x9d: {  	s23 =	simm.s32 $0x1BFF;
	s22 =	sshll.u32 s8, $0x1;
	s5 =	sadd.s32 s6, s20  }
0x9e: {  	s9 =	simm.s32 $0x0;
	s21 =	sshll.u32 s7, $0x1;
	s7 =	sadd.s32 s22, s5  }
0x9f: {  	[timem:s9], [sflag:s23] =	dma.local [hbm:s7], s21  }
0xa0: {  	_ =	swait.ge [sflag:s23], s21  }
0xa1: {  	s6 =	ssub.s32 $0x0, s21;
	[sflag:s23] =	ssyncset.done $0x0  }
0xa2: {  	[sflag:s23] =	ssyncadd.s32 s6;
	_ =	sdelay $0x1  }
0xa3: {  	s24 =	simm.s32 $0x1B8B  }
0xa4: {  	_ =	swait.ge [sflag:s24], $0x1  }
0xa5: {  	[sflag:s24] =	ssyncset.done $0x0  }
0xa6: {  	s25 =	simm.s32 $0x1B8E;
	[sflag:s24] =	ssyncadd.s32 $0xFFFFFFFF  }
0xa7: {  	s26 =	simm.s32 $execute0_lowered;
	[smem:$0x3FD2] =	sst s25  }
0xa8: {  	s6 =	sshll.u32 s26, $0x1;
	_ =	strace $0x80000046;
	[dreg:$0x1] =	wrdreg $0xFFFFFFFF  }
0xa9: {  	s28 =	simm.s32 $_size_execute0_lowered;
	s5 =	sadd.s32 s5, s6;
	[dreg:$0x0] =	wrdreg $0x0  }
0xaa: {  	s6 =	sshll.u32 s28, $0x1;
	[dreg:$0x2] =	wrdreg s5  }
0xab: {  	[dreg:$0x3] =	wrdreg s6  }
0xac: {  	[dreg:$0x4] =	wrdreg $0xC0  }
0xad: {  	_ =	task [dreg:s9], $0x5FFFF  }
0xae: {  	[dreg:$0x1] =	wrdreg $0xFFFFFFFF  }
0xaf: {  	[dreg:$0x0] =	wrdreg $0x60  }
0xb0: {  	[dreg:$0x2] =	wrdreg s2  }
0xb1: {  	[dreg:$0x3] =	wrdreg s19  }
0xb2: {  	[dreg:$0x4] =	wrdreg s4  }
0xb3: {  	[dreg:$0x5] =	wrdreg $0x9  }
0xb4: {  	_ =	task.clear_ibuf [dreg:s9], $0x6FFFF;
	_ =	strace $0x90000046  }
0xb5: {  	s29 =	simm.s32 $0x9;
	_ =	strace $0x80000048  }
0xb6: {  	_ =	swait.ge [sflag:s29], $0x1  }
0xb7: {  	[sflag:s29] =	ssyncadd.s32 $0xFFFFFFFF  }
0xb8: {  	_ =	strace $0x90000048  }
0xb9: {  	_ =	sfence  }
0xba: {  	s30 =	sld [smem:$0x0];
	_ =	sdelay $0x2  }
0xbb: {  	s31 =	sshll.u32 s1, $0xD;
	s1 =	sshrl.u32 s1, $0x2  }
0xbc: {  	s3 =	sand.u32 $0x4000, s31;
	s1 =	sadd.s32 s1, s30  }
0xbd: {  	s0 =	sor.u32 s3, s0;
	s1 =	sshll.u32 s1, $0x11  }
0xbe: {  	s0 =	sor.u32 s1, s0  }
0xbf: {  	s0 =	sadd.s32 $0x8F2B, s0  }
0xc0: {  	[sflag:s0] =	ssyncadd.remote.s32 $0x1  }
0xc1: {  	_ =	sfence.sel $0xFFFF  }
0xc2: {  	[dreg:$0x0] =	wrdreg $0xFFFFFFFF;
	(pc) =	sbr.abs _section_cstart, $3  }
0xc3: {  	[dreg:$0x1] =	wrdreg $0xFFFFFFFF  }
0xc4: {  	_ =	task.clear_ibuf [dreg:s9], $0x2FFFF;
	_ =	strace $0x9FFFFFFF  }
0xc5: {  	(tm) =	ssettm $0x7FFFFFFF  }
tec
execute0_lowered:
.L_overlay_start_1:
0x0: {  	(tag) =	ssettag $0x1  }
0x1: {  	s0 =	srdreg.scid  }
0x2: {  	s4 =	stileid.u32;
	s3 =	rddreg [dreg:$0x0]  }
0x3: {  	s2 =	simm.s32 $0x1;
	s7 =	rddreg [dreg:$0x2];
	s29 =	simm.s32 $0xF  }
0x4: {  	s24 =	simm.s32 $0x100;
	s25 =	simm.s32 $0x180;
	s26 =	simm.s32 $0x200  }
0x5: {  	s14 =	simm.s32 $0x14400;
	s31 =	simm.s32 $0x300;
	s11 =	simm.s32 $0x18400  }
0x6: {  	s30 =	simm.s32 $0x380;
	s0 =	sand.u32 $0x1, s0;
	s1 =	sshll.u32 s4, $0x1  }
0x7: {  	s15 =	simm.s32 $0x9;
	s13 =	simm.s32 $0xA;
	s1 =	sor.u32 s0, s1  }
0x8: {  	s12 =	simm.s32 $0xB;
	p1 =	seq.s32 s0, $0x1;
	p0 =	seq.s32 s1, $0x0  }
0x9: {  	s10 =	simm.s32 $0xC;
	s8 =	simm.s32 $0xD;
	p0 =	por !p0, !p1  }
0xa: {  	s6 =	sshll.u32 s0, $0xD;
	s0 =	ssub.s32 $0x2, s0;
	p0 =	por !p0, !p0  }
0xb: {  	s1 =	sshll.u32 s1, $0xE;
	s22 =	sshrl.u32 s0, $0x1;
	s2 =	simm.s32 @!p0 $0x0  }
0xc: {  	s9 =	sadd.s32 s7, s1;
	s0 =	ssub.s32 s0, s22;
	s2 =	ssub.s32 s4, s2  }
0xd: {  	s22 =	simm.s32 $0x80;
	s5 =	sshll.u32 s2, $0xB;
	s2 =	sshll.u32 s2, $0x7  }
0xe: {  	s4 =	rddreg [dreg:$0x1];
	s16 =	sand.u32 $0x380, s2;
	s2 =	simm.s32 $0x0  }
0xf: {  	s7 =	simm.s32 $0xE;
	s1 =	sadd.s32 $0x800, s9;
	[smem:$0x7FF] =	sst s2  }
0x10: {  	s17 =	sadd.s32 $0x1000, s9;
	_ =	strace $0x80000047;
	[dreg:$0x5] =	wrdreg s1  }
0x11: {  	s18 =	sadd.s32 $0x1800, s9;
	s19 =	sadd.s32 $0x2000, s9;
	[dreg:$0x6] =	wrdreg s17  }
0x12: {  	s20 =	sadd.s32 $0x2800, s9;
	s21 =	sadd.s32 $0x3000, s9;
	[dreg:$0x7] =	wrdreg s18  }
0x13: {  	s23 =	sadd.s32 $0x3800, s9;
	s0 =	smax.u32 s0, $0x1;
	[dreg:$0x8] =	wrdreg s19  }
0x14: {  	p1 =	sne.s32 s0, $0x1;
	s28 =	sadd.s32 $0xFFFFFFFF, s0;
	[dreg:$0x9] =	wrdreg s20  }
0x15: {  	p0 =	por $0x0, $0x0;
	s5 =	sand.u32 $0xFFFFC000, s5;
	[dreg:$0xa] =	wrdreg s21  }
0x16: {  	s5 =	sor.u32 s6, s5;
	s6 =	simm.s32 $0x400;
	[dreg:$0xb] =	wrdreg s23  }
0x17: {  	s5 =	sor.u32 s16, s5;
	s20 =	simm.s32 $0x4400;
	[dreg:$0xc] =	wrdreg s24  }
0x18: {  	s19 =	simm.s32 $0x8400;
	[dreg:$0xd] =	wrdreg s25;
	s17 =	simm.s32 $0xC400  }
.Ltmp0:
0x19: {  	[dreg:$0xe] =	wrdreg s26;
	s16 =	simm.s32 $0x10400;
	(pc) =	sbr.rel @!p1 .LBB2_1-.Ltmp0, $4  }
0x1a: {  	s26 =	simm.s32 $0x2;
	s25 =	simm.s32 $0x3;
	s5 =	sshrl.u32 s5, $0x3  }
0x1b: {  	s24 =	simm.s32 $0x4;
	s23 =	simm.s32 $0x5;
	s3 =	sadd.s32 s3, s5  }
0x1c: {  	s21 =	simm.s32 $0x6;
	s18 =	simm.s32 $0x7;
	[dreg:$0x4] =	wrdreg s3  }
0x1d: {  	s5 =	simm.s32 $0x1;
	s3 =	simm.s32 $0x8;
	s0 =	rddreg [dreg:$0x4]  }
0x1e: {  	[tilespmem:s2], [sflag:$0xF] =	stream.strided.gather [hbm4b:s0+s22], $0x400, s6, s22, $0x38;
	[tilespmem:$0x1C400] =	vst v63  }
0x1f: {  	_ =	swait.ge [sflag:s29], $0x400  }
0x20: {  	[sflag:s29] =	ssyncset.done $0x0  }
0x21: {  	[sflag:s29] =	ssyncadd.s32 $0xFFFFFC00  }
0x22: {  	[tilespmem:s6], [sflag:$0x1] =	stream.indirect.gather [hbm4b:s4+s22], $0x80, s2, s22, $0xb8;
	[tilespmem:$0x1C400] =	vst v63  }
0x23: {  	_ = 	snop  }
0x24: {  	[tilespmem:s20], [sflag:$0x2] =	stream.indirect.gather [hbm4b:s4+s22], $0x80, s22, s22, $0xb8;
	[tilespmem:$0x1C400] =	vst v63  }
0x25: {  	s0 =	rddreg [dreg:$0xc]  }
0x26: {  	[tilespmem:s19], [sflag:$0x3] =	stream.indirect.gather [hbm4b:s4+s22], $0x80, s0, s22, $0xb8;
	[tilespmem:$0x1C400] =	vst v63  }
0x27: {  	s1 =	rddreg [dreg:$0xd]  }
0x28: {  	[tilespmem:s17], [sflag:$0x4] =	stream.indirect.gather [hbm4b:s4+s22], $0x80, s1, s22, $0xb8;
	[tilespmem:$0x1C400] =	vst v63  }
0x29: {  	s0 =	rddreg [dreg:$0xe]  }
0x2a: {  	[tilespmem:s16], [sflag:$0x5] =	stream.indirect.gather [hbm4b:s4+s22], $0x80, s0, s22, $0xb8;
	[tilespmem:$0x1C400] =	vst v63  }
0x2b: {  	s1 =	simm.s32 $0x280  }
0x2c: {  	[tilespmem:s14], [sflag:$0x6] =	stream.indirect.gather [hbm4b:s4+s22], $0x80, s1, s22, $0xb8;
	[tilespmem:$0x1C400] =	vst v63  }
0x2d: {  	_ = 	snop  }
0x2e: {  	[tilespmem:s11], [sflag:$0x7] =	stream.indirect.gather [hbm4b:s4+s22], $0x80, s31, s22, $0xb8;
	[tilespmem:$0x1C400] =	vst v63  }
0x2f: {  	_ =	swait.ge [sflag:s5], $0x4000  }
0x30: {  	[sflag:s5] =	ssyncset.done $0x0  }
0x31: {  	[sflag:s5] =	ssyncadd.s32 $0xFFFFC000  }
0x32: {  	[hbm4b:s9+s2] =	stream.linear.scatter [tilespmem:s6], [sflag:$0x8], $0x4000, $0x38;
	[tilespmem:$0x1C400] =	vst v63  }
0x33: {  	_ =	swait.ge [sflag:s3], $0x4000  }
0x34: {  	[sflag:s3] =	ssyncset.done $0x0  }
0x35: {  	[sflag:s3] =	ssyncadd.s32 $0xFFFFC000  }
0x36: {  	[tilespmem:s6], [sflag:$0x1] =	stream.indirect.gather [hbm4b:s4+s22], $0x80, s30, s22, $0xb8;
	[tilespmem:$0x1C400] =	vst v63  }
0x37: {  	_ =	swait.ge [sflag:s26], $0x4000  }
0x38: {  	[sflag:s26] =	ssyncset.done $0x0  }
0x39: {  	s1 =	rddreg [dreg:$0x5];
	[sflag:s26] =	ssyncadd.s32 $0xFFFFC000  }
0x3a: {  	[hbm4b:s1+s2] =	stream.linear.scatter [tilespmem:s20], [sflag:$0x9], $0x4000, $0x38;
	[tilespmem:$0x1C400] =	vst v63  }
0x3b: {  	_ =	swait.ge [sflag:s25], $0x4000  }
0x3c: {  	[sflag:s25] =	ssyncset.done $0x0  }
0x3d: {  	s1 =	rddreg [dreg:$0x6];
	[sflag:s25] =	ssyncadd.s32 $0xFFFFC000  }
0x3e: {  	[hbm4b:s1+s2] =	stream.linear.scatter [tilespmem:s19], [sflag:$0xA], $0x4000, $0x38;
	[tilespmem:$0x1C400] =	vst v63  }
0x3f: {  	_ =	swait.ge [sflag:s24], $0x4000  }
0x40: {  	[sflag:s24] =	ssyncset.done $0x0  }
0x41: {  	s1 =	rddreg [dreg:$0x7];
	[sflag:s24] =	ssyncadd.s32 $0xFFFFC000  }
0x42: {  	[hbm4b:s1+s2] =	stream.linear.scatter [tilespmem:s17], [sflag:$0xB], $0x4000, $0x38;
	[tilespmem:$0x1C400] =	vst v63  }
0x43: {  	_ =	swait.ge [sflag:s23], $0x4000  }
0x44: {  	[sflag:s23] =	ssyncset.done $0x0  }
0x45: {  	s1 =	rddreg [dreg:$0x8];
	[sflag:s23] =	ssyncadd.s32 $0xFFFFC000  }
0x46: {  	[hbm4b:s1+s2] =	stream.linear.scatter [tilespmem:s16], [sflag:$0xC], $0x4000, $0x38;
	[tilespmem:$0x1C400] =	vst v63  }
0x47: {  	_ =	swait.ge [sflag:s21], $0x4000  }
0x48: {  	[sflag:s21] =	ssyncset.done $0x0  }
0x49: {  	s1 =	rddreg [dreg:$0x9];
	[sflag:s21] =	ssyncadd.s32 $0xFFFFC000  }
0x4a: {  	[hbm4b:s1+s2] =	stream.linear.scatter [tilespmem:s14], [sflag:$0xD], $0x4000, $0x38;
	[tilespmem:$0x1C400] =	vst v63  }
0x4b: {  	_ =	swait.ge [sflag:s18], $0x4000  }
0x4c: {  	[sflag:s18] =	ssyncset.done $0x0  }
0x4d: {  	s1 =	rddreg [dreg:$0xa];
	[sflag:s18] =	ssyncadd.s32 $0xFFFFC000  }
0x4e: {  	[hbm4b:s1+s2] =	stream.linear.scatter [tilespmem:s11], [sflag:$0xE], $0x4000, $0x38;
	[tilespmem:$0x1C400] =	vst v63  }
0x4f: {  	_ =	swait.ge [sflag:s5], $0x4000  }
0x50: {  	[sflag:s5] =	ssyncset.done $0x0  }
0x51: {  	s1 =	rddreg [dreg:$0xb];
	[sflag:s5] =	ssyncadd.s32 $0xFFFFC000  }
0x52: {  	[hbm4b:s1+s2] =	stream.linear.scatter [tilespmem:s6], [sflag:$0x8], $0x4000, $0x38;
	[tilespmem:$0x1C400] =	vst v63  }
0x53: {  	_ =	swait.ge [sflag:s15], $0x4000  }
0x54: {  	[sflag:s15] =	ssyncset.done $0x0  }
0x55: {  	[sflag:s15] =	ssyncadd.s32 $0xFFFFC000  }
0x56: {  	_ =	swait.ge [sflag:s13], $0x4000  }
0x57: {  	[sflag:s13] =	ssyncset.done $0x0  }
0x58: {  	[sflag:s13] =	ssyncadd.s32 $0xFFFFC000  }
0x59: {  	_ =	swait.ge [sflag:s12], $0x4000  }
0x5a: {  	[sflag:s12] =	ssyncset.done $0x0  }
0x5b: {  	[sflag:s12] =	ssyncadd.s32 $0xFFFFC000  }
0x5c: {  	_ =	swait.ge [sflag:s10], $0x4000  }
0x5d: {  	[sflag:s10] =	ssyncset.done $0x0  }
0x5e: {  	[sflag:s10] =	ssyncadd.s32 $0xFFFFC000  }
0x5f: {  	_ =	swait.ge [sflag:s8], $0x4000  }
0x60: {  	[sflag:s8] =	ssyncset.done $0x0  }
0x61: {  	p1 =	sne.s32 s28, $0x1;
	[sflag:s8] =	ssyncadd.s32 $0xFFFFC000  }
.Ltmp1:
0x62: {  	_ =	swait.ge [sflag:s7], $0x4000;
	(pc) =	sbr.rel @!p1 .LBB2_3-.Ltmp1, $4  }
0x63: {  	[sflag:s7] =	ssyncset.done $0x0  }
0x64: {  	[sflag:s7] =	ssyncadd.s32 $0xFFFFC000  }
0x65: {  	p0 =	por $0x1, $0x1;
	_ =	swait.ge [sflag:s3], $0x4000  }
0x66: {  	s1 =	sadd.s32 $0xFFFFFFFF, s28;
	s0 =	rddreg [dreg:$0x4];
	[sflag:s3] =	ssyncset.done $0x0  }
.LBB2_4:
0x67: {  	[sflag:s3] =	ssyncadd.s32 $0xFFFFC000  }
0x68: {  	[tilespmem:s2], [sflag:$0xF] =	stream.strided.gather [hbm4b:s0+s22], $0x400, s6, s22, $0x38;
	[tilespmem:$0x1C400] =	vst v63  }
0x69: {  	_ =	swait.ge [sflag:s29], $0x400  }
0x6a: {  	[sflag:s29] =	ssyncset.done $0x0  }
0x6b: {  	[sflag:s29] =	ssyncadd.s32 $0xFFFFFC00  }
0x6c: {  	[tilespmem:s6], [sflag:$0x1] =	stream.indirect.gather [hbm4b:s4+s22], $0x80, s2, s22, $0xb8;
	[tilespmem:$0x1C400] =	vst v63  }
0x6d: {  	_ = 	snop  }
0x6e: {  	[tilespmem:s20], [sflag:$0x2] =	stream.indirect.gather [hbm4b:s4+s22], $0x80, s22, s22, $0xb8;
	[tilespmem:$0x1C400] =	vst v63  }
0x6f: {  	s0 =	rddreg [dreg:$0xc]  }
0x70: {  	[tilespmem:s19], [sflag:$0x3] =	stream.indirect.gather [hbm4b:s4+s22], $0x80, s0, s22, $0xb8;
	[tilespmem:$0x1C400] =	vst v63  }
0x71: {  	s28 =	rddreg [dreg:$0xd]  }
0x72: {  	[tilespmem:s17], [sflag:$0x4] =	stream.indirect.gather [hbm4b:s4+s22], $0x80, s28, s22, $0xb8;
	[tilespmem:$0x1C400] =	vst v63  }
0x73: {  	s0 =	rddreg [dreg:$0xe]  }
0x74: {  	[tilespmem:s16], [sflag:$0x5] =	stream.indirect.gather [hbm4b:s4+s22], $0x80, s0, s22, $0xb8;
	[tilespmem:$0x1C400] =	vst v63  }
0x75: {  	s28 =	simm.s32 $0x280  }
0x76: {  	[tilespmem:s14], [sflag:$0x6] =	stream.indirect.gather [hbm4b:s4+s22], $0x80, s28, s22, $0xb8;
	[tilespmem:$0x1C400] =	vst v63  }
0x77: {  	_ = 	snop  }
0x78: {  	[tilespmem:s11], [sflag:$0x7] =	stream.indirect.gather [hbm4b:s4+s22], $0x80, s31, s22, $0xb8;
	[tilespmem:$0x1C400] =	vst v63  }
0x79: {  	_ =	swait.ge [sflag:s5], $0x4000  }
0x7a: {  	[sflag:s5] =	ssyncset.done $0x0  }
0x7b: {  	[sflag:s5] =	ssyncadd.s32 $0xFFFFC000  }
0x7c: {  	[hbm4b:s9+s2] =	stream.linear.scatter [tilespmem:s6], [sflag:$0x8], $0x4000, $0x38;
	[tilespmem:$0x1C400] =	vst v63  }
0x7d: {  	_ =	swait.ge [sflag:s3], $0x4000  }
0x7e: {  	[sflag:s3] =	ssyncset.done $0x0  }
0x7f: {  	[sflag:s3] =	ssyncadd.s32 $0xFFFFC000  }
0x80: {  	[tilespmem:s6], [sflag:$0x1] =	stream.indirect.gather [hbm4b:s4+s22], $0x80, s30, s22, $0xb8;
	[tilespmem:$0x1C400] =	vst v63  }
0x81: {  	_ =	swait.ge [sflag:s26], $0x4000  }
0x82: {  	[sflag:s26] =	ssyncset.done $0x0  }
0x83: {  	s28 =	rddreg [dreg:$0x5];
	[sflag:s26] =	ssyncadd.s32 $0xFFFFC000  }
0x84: {  	[hbm4b:s28+s2] =	stream.linear.scatter [tilespmem:s20], [sflag:$0x9], $0x4000, $0x38;
	[tilespmem:$0x1C400] =	vst v63  }
0x85: {  	_ =	swait.ge [sflag:s25], $0x4000  }
0x86: {  	[sflag:s25] =	ssyncset.done $0x0  }
0x87: {  	s28 =	rddreg [dreg:$0x6];
	[sflag:s25] =	ssyncadd.s32 $0xFFFFC000  }
0x88: {  	[hbm4b:s28+s2] =	stream.linear.scatter [tilespmem:s19], [sflag:$0xA], $0x4000, $0x38;
	[tilespmem:$0x1C400] =	vst v63  }
0x89: {  	_ =	swait.ge [sflag:s24], $0x4000  }
0x8a: {  	[sflag:s24] =	ssyncset.done $0x0  }
0x8b: {  	s28 =	rddreg [dreg:$0x7];
	[sflag:s24] =	ssyncadd.s32 $0xFFFFC000  }
0x8c: {  	[hbm4b:s28+s2] =	stream.linear.scatter [tilespmem:s17], [sflag:$0xB], $0x4000, $0x38;
	[tilespmem:$0x1C400] =	vst v63  }
0x8d: {  	_ =	swait.ge [sflag:s23], $0x4000  }
0x8e: {  	[sflag:s23] =	ssyncset.done $0x0  }
0x8f: {  	s28 =	rddreg [dreg:$0x8];
	[sflag:s23] =	ssyncadd.s32 $0xFFFFC000  }
0x90: {  	[hbm4b:s28+s2] =	stream.linear.scatter [tilespmem:s16], [sflag:$0xC], $0x4000, $0x38;
	[tilespmem:$0x1C400] =	vst v63  }
0x91: {  	_ =	swait.ge [sflag:s21], $0x4000  }
0x92: {  	[sflag:s21] =	ssyncset.done $0x0  }
0x93: {  	s28 =	rddreg [dreg:$0x9];
	[sflag:s21] =	ssyncadd.s32 $0xFFFFC000  }
0x94: {  	[hbm4b:s28+s2] =	stream.linear.scatter [tilespmem:s14], [sflag:$0xD], $0x4000, $0x38;
	[tilespmem:$0x1C400] =	vst v63  }
0x95: {  	_ =	swait.ge [sflag:s18], $0x4000  }
0x96: {  	[sflag:s18] =	ssyncset.done $0x0  }
0x97: {  	s28 =	rddreg [dreg:$0xa];
	[sflag:s18] =	ssyncadd.s32 $0xFFFFC000  }
0x98: {  	[hbm4b:s28+s2] =	stream.linear.scatter [tilespmem:s11], [sflag:$0xE], $0x4000, $0x38;
	[tilespmem:$0x1C400] =	vst v63  }
0x99: {  	_ =	swait.ge [sflag:s5], $0x4000  }
0x9a: {  	[sflag:s5] =	ssyncset.done $0x0  }
0x9b: {  	s28 =	rddreg [dreg:$0xb];
	[sflag:s5] =	ssyncadd.s32 $0xFFFFC000  }
0x9c: {  	[hbm4b:s28+s2] =	stream.linear.scatter [tilespmem:s6], [sflag:$0x8], $0x4000, $0x38;
	[tilespmem:$0x1C400] =	vst v63  }
0x9d: {  	_ =	swait.ge [sflag:s15], $0x4000  }
0x9e: {  	[sflag:s15] =	ssyncset.done $0x0  }
0x9f: {  	[sflag:s15] =	ssyncadd.s32 $0xFFFFC000  }
0xa0: {  	_ =	swait.ge [sflag:s13], $0x4000  }
0xa1: {  	[sflag:s13] =	ssyncset.done $0x0  }
0xa2: {  	[sflag:s13] =	ssyncadd.s32 $0xFFFFC000  }
0xa3: {  	_ =	swait.ge [sflag:s12], $0x4000  }
0xa4: {  	[sflag:s12] =	ssyncset.done $0x0  }
0xa5: {  	[sflag:s12] =	ssyncadd.s32 $0xFFFFC000  }
0xa6: {  	_ =	swait.ge [sflag:s10], $0x4000  }
0xa7: {  	[sflag:s10] =	ssyncset.done $0x0  }
0xa8: {  	[sflag:s10] =	ssyncadd.s32 $0xFFFFC000  }
0xa9: {  	_ =	swait.ge [sflag:s8], $0x4000  }
0xaa: {  	[sflag:s8] =	ssyncset.done $0x0  }
0xab: {  	p1 =	sne.s32 s1, $0x1;
	[sflag:s8] =	ssyncadd.s32 $0xFFFFC000  }
.Ltmp2:
0xac: {  	_ =	swait.ge [sflag:s7], $0x4000;
	(pc) =	sbr.rel @p1 .LBB2_4-.Ltmp2, $4  }
0xad: {  	[sflag:s7] =	ssyncset.done $0x0  }
0xae: {  	[sflag:s7] =	ssyncadd.s32 $0xFFFFC000  }
0xaf: {  	_ =	swait.ge [sflag:s3], $0x4000  }
0xb0: {  	s1 =	sadd.s32 $0xFFFFFFFF, s1;
	s0 =	rddreg [dreg:$0x4];
	[sflag:s3] =	ssyncset.done $0x0  }
0xb1: {  	s28 =	simm.s32 $0x300;
	s31 =	simm.s32 $0x280;
	s30 =	simm.s32 $0x380  }
.LBB2_6:
0xb2: {  	[sflag:s3] =	ssyncadd.s32 @p0 $0xFFFFC000  }
0xb3: {  	[tilespmem:s2], [sflag:$0xF] =	stream.strided.gather [hbm4b:s0+s22], $0x400, s6, s22, $0x38;
	[tilespmem:$0x1C400] =	vst v63  }
0xb4: {  	_ =	swait.ge [sflag:s29], $0x400  }
0xb5: {  	[sflag:s29] =	ssyncset.done $0x0  }
0xb6: {  	[sflag:s29] =	ssyncadd.s32 $0xFFFFFC00  }
0xb7: {  	[tilespmem:s6], [sflag:$0x1] =	stream.indirect.gather [hbm4b:s4+s22], $0x80, s2, s22, $0xb8;
	[tilespmem:$0x1C400] =	vst v63  }
0xb8: {  	_ = 	snop  }
0xb9: {  	[tilespmem:s20], [sflag:$0x2] =	stream.indirect.gather [hbm4b:s4+s22], $0x80, s22, s22, $0xb8;
	[tilespmem:$0x1C400] =	vst v63  }
0xba: {  	s29 =	rddreg [dreg:$0xc]  }
0xbb: {  	[tilespmem:s19], [sflag:$0x3] =	stream.indirect.gather [hbm4b:s4+s22], $0x80, s29, s22, $0xb8;
	[tilespmem:$0x1C400] =	vst v63  }
0xbc: {  	s1 =	rddreg [dreg:$0xd]  }
0xbd: {  	[tilespmem:s17], [sflag:$0x4] =	stream.indirect.gather [hbm4b:s4+s22], $0x80, s1, s22, $0xb8;
	[tilespmem:$0x1C400] =	vst v63  }
0xbe: {  	s29 =	rddreg [dreg:$0xe]  }
0xbf: {  	[tilespmem:s16], [sflag:$0x5] =	stream.indirect.gather [hbm4b:s4+s22], $0x80, s29, s22, $0xb8;
	[tilespmem:$0x1C400] =	vst v63  }
0xc0: {  	_ = 	snop  }
0xc1: {  	[tilespmem:s14], [sflag:$0x6] =	stream.indirect.gather [hbm4b:s4+s22], $0x80, s31, s22, $0xb8;
	[tilespmem:$0x1C400] =	vst v63  }
0xc2: {  	_ = 	snop  }
0xc3: {  	[tilespmem:s11], [sflag:$0x7] =	stream.indirect.gather [hbm4b:s4+s22], $0x80, s28, s22, $0xb8;
	[tilespmem:$0x1C400] =	vst v63  }
0xc4: {  	_ =	swait.ge [sflag:s5], $0x4000  }
0xc5: {  	[sflag:s5] =	ssyncset.done $0x0  }
0xc6: {  	[sflag:s5] =	ssyncadd.s32 $0xFFFFC000  }
0xc7: {  	[hbm4b:s9+s2] =	stream.linear.scatter [tilespmem:s6], [sflag:$0x8], $0x4000, $0x38;
	[tilespmem:$0x1C400] =	vst v63  }
0xc8: {  	_ =	swait.ge [sflag:s3], $0x4000  }
0xc9: {  	[sflag:s3] =	ssyncset.done $0x0  }
0xca: {  	[sflag:s3] =	ssyncadd.s32 $0xFFFFC000  }
0xcb: {  	[tilespmem:s6], [sflag:$0x1] =	stream.indirect.gather [hbm4b:s4+s22], $0x80, s30, s22, $0xb8;
	[tilespmem:$0x1C400] =	vst v63  }
0xcc: {  	_ =	swait.ge [sflag:s26], $0x4000  }
0xcd: {  	[sflag:s26] =	ssyncset.done $0x0  }
0xce: {  	s9 =	rddreg [dreg:$0x5];
	[sflag:s26] =	ssyncadd.s32 $0xFFFFC000  }
0xcf: {  	[hbm4b:s9+s2] =	stream.linear.scatter [tilespmem:s20], [sflag:$0x9], $0x4000, $0x38;
	[tilespmem:$0x1C400] =	vst v63  }
0xd0: {  	_ =	swait.ge [sflag:s25], $0x4000  }
0xd1: {  	[sflag:s25] =	ssyncset.done $0x0  }
0xd2: {  	s22 =	rddreg [dreg:$0x6];
	[sflag:s25] =	ssyncadd.s32 $0xFFFFC000  }
0xd3: {  	[hbm4b:s22+s2] =	stream.linear.scatter [tilespmem:s19], [sflag:$0xA], $0x4000, $0x38;
	[tilespmem:$0x1C400] =	vst v63  }
0xd4: {  	_ =	swait.ge [sflag:s24], $0x4000  }
0xd5: {  	[sflag:s24] =	ssyncset.done $0x0  }
0xd6: {  	s25 =	rddreg [dreg:$0x7];
	[sflag:s24] =	ssyncadd.s32 $0xFFFFC000  }
0xd7: {  	[hbm4b:s25+s2] =	stream.linear.scatter [tilespmem:s17], [sflag:$0xB], $0x4000, $0x38;
	[tilespmem:$0x1C400] =	vst v63  }
0xd8: {  	_ =	swait.ge [sflag:s23], $0x4000  }
0xd9: {  	[sflag:s23] =	ssyncset.done $0x0  }
0xda: {  	s26 =	rddreg [dreg:$0x8];
	[sflag:s23] =	ssyncadd.s32 $0xFFFFC000  }
0xdb: {  	[hbm4b:s26+s2] =	stream.linear.scatter [tilespmem:s16], [sflag:$0xC], $0x4000, $0x38;
	[tilespmem:$0x1C400] =	vst v63  }
0xdc: {  	_ =	swait.ge [sflag:s21], $0x4000  }
0xdd: {  	[sflag:s21] =	ssyncset.done $0x0  }
0xde: {  	s28 =	rddreg [dreg:$0x9];
	[sflag:s21] =	ssyncadd.s32 $0xFFFFC000  }
0xdf: {  	[hbm4b:s28+s2] =	stream.linear.scatter [tilespmem:s14], [sflag:$0xD], $0x4000, $0x38;
	[tilespmem:$0x1C400] =	vst v63  }
0xe0: {  	_ =	swait.ge [sflag:s18], $0x4000  }
0xe1: {  	[sflag:s18] =	ssyncset.done $0x0  }
0xe2: {  	s29 =	rddreg [dreg:$0xa];
	[sflag:s18] =	ssyncadd.s32 $0xFFFFC000  }
0xe3: {  	[hbm4b:s29+s2] =	stream.linear.scatter [tilespmem:s11], [sflag:$0xE], $0x4000, $0x38;
	[tilespmem:$0x1C400] =	vst v63  }
0xe4: {  	_ =	swait.ge [sflag:s5], $0x4000  }
0xe5: {  	[sflag:s5] =	ssyncset.done $0x0  }
0xe6: {  	s30 =	rddreg [dreg:$0xb];
	[sflag:s5] =	ssyncadd.s32 $0xFFFFC000  }
0xe7: {  	[hbm4b:s30+s2] =	stream.linear.scatter [tilespmem:s6], [sflag:$0x8], $0x4000, $0x38;
	[tilespmem:$0x1C400] =	vst v63  }
0xe8: {  	_ =	swait.ge [sflag:s15], $0x4000  }
0xe9: {  	[sflag:s15] =	ssyncset.done $0x0  }
0xea: {  	[sflag:s15] =	ssyncadd.s32 $0xFFFFC000  }
0xeb: {  	_ =	swait.ge [sflag:s13], $0x4000  }
0xec: {  	[sflag:s13] =	ssyncset.done $0x0  }
0xed: {  	[sflag:s13] =	ssyncadd.s32 $0xFFFFC000  }
0xee: {  	_ =	swait.ge [sflag:s12], $0x4000  }
0xef: {  	[sflag:s12] =	ssyncset.done $0x0  }
0xf0: {  	[sflag:s12] =	ssyncadd.s32 $0xFFFFC000  }
0xf1: {  	_ =	swait.ge [sflag:s10], $0x4000  }
0xf2: {  	[sflag:s10] =	ssyncset.done $0x0  }
0xf3: {  	[sflag:s10] =	ssyncadd.s32 $0xFFFFC000  }
0xf4: {  	_ =	swait.ge [sflag:s8], $0x4000  }
0xf5: {  	[sflag:s8] =	ssyncset.done $0x0  }
0xf6: {  	[sflag:s8] =	ssyncadd.s32 $0xFFFFC000  }
0xf7: {  	_ =	swait.ge [sflag:s7], $0x4000  }
0xf8: {  	[sflag:s7] =	ssyncset.done $0x0  }
0xf9: {  	[sflag:s7] =	ssyncadd.s32 $0xFFFFC000  }
0xfa: {  	_ =	swait.ge [sflag:s3], $0x4000  }
0xfb: {  	[sflag:s3] =	ssyncset.done $0x0  }
0xfc: {  	[sflag:s3] =	ssyncadd.s32 $0xFFFFC000  }
0xfd: {  	_ =	sfence.sel $0x180000  }
0xfe: {  	[bflag:$0x0] =	sbarrier.arrive $0xFFFF  }
0xff: {  	_ =	strace $0x90000047  }
0x100: {  	s31 =	stileid.u32;
	[bflag:$0x2] =	sbarrier.arrive $0xFFFF  }
0x101: {  	p0 =	sne.s32 s31, $0x0;
	s0 =	rddreg [dreg:$0x3]  }
0x102: {  	s0 =	sadd.s32 @!p0 $0x100000, s0  }
0x103: {  	[sflag:s0] =	ssyncadd.tile.s32 @!p0 $0x1;
	_ =	shalt  }
.LBB2_1:
.Ltmp3:
0x104: {  	(pc) =	sbr.rel .LBB2_6-.Ltmp3, $2  }
0x105: {  	_ =	sdelay $0x2  }
0x106: {  	s28 =	simm.s32 $0x300;
	s31 =	simm.s32 $0x280;
	s30 =	simm.s32 $0x380  }
.LBB2_3:
.Ltmp4:
0x107: {  	(pc) =	sbr.rel .LBB2_6-.Ltmp4, $2  }
0x108: {  	_ =	sdelay $0x2  }
0x109: {  	s28 =	simm.s32 $0x300;
	s31 =	simm.s32 $0x280;
	s30 =	simm.s32 $0x380  }
.Lfunc_end2:
_tile_overlayer_lowered:
.L_overlay_start_2:
0x10a: {  	(tag) =	ssettag $0x2  }
0x10b: {  	s0 =	rddreg [dreg:$0x0];
	s2 =	stileid.u32  }
0x10c: {  	s1 =	rddreg [dreg:$0x1];
	p0 =	sne.s32 s2, $0x0  }
0x10d: {  	s3 =	rddreg [dreg:$0x2];
	[bflag:$0x3] =	sbarrier.arrive $0xFFFF;
	s2 =	simm.s32 @!p0 $0x1C0F  }
0x10e: {  	[timem:s3], [sflag:s2] =	dma.local @!p0 [hbm:s0], s1  }
0x10f: {  	s0 =	simm.s32 @!p0 $0xF  }
0x110: {  	_ =	swait.ge @!p0 [sflag:s0], s1  }
0x111: {  	s1 =	ssub.s32 @!p0 $0x0, s1;
	[sflag:s0] =	ssyncset.done @!p0 $0x0  }
0x112: {  	[sflag:s0] =	ssyncadd.s32 @!p0 s1  }
0x113: {  	[bflag:$0x3] =	sbarrier.arrive $0xFFFF  }
0x114: {  	_ =	shalt  }

</sc_bundles>
